<compile_context>
chip_gen: v7x
topology: tpu7x:2x2x1
jax: 0.10.2.dev20260603
libtpu: 0.0.44.dev20260713+nightly
codegen_flags: <defaults>
</compile_context>

<pallas_src>
import functools

import jax
import jax.numpy as jnp
from jax import lax
from jax.experimental import pallas as pl
from jax.experimental.pallas import tpu as pltpu
from jax.experimental.pallas import tpu_sc as plsc

NC = 2
NS = 16
NW = NC * NS
CHUNK = 128
NBUF = 4


def _make_embed(N, V, D):
    BPW = N // NW
    NCHUNK = BPW // CHUNK
    NGRP = NCHUNK // NBUF
    mesh = plsc.VectorSubcoreMesh(
        core_axis_name="c", subcore_axis_name="s", num_cores=NC, num_subcores=NS
    )

    @functools.partial(
        pl.kernel,
        out_type=jax.ShapeDtypeStruct((N, D), jnp.float32),
        mesh=mesh,
        scratch_types=[
            pltpu.VMEM_SHARED((V + 1, D), jnp.float32),
            pltpu.VMEM((NCHUNK, CHUNK), jnp.int32),
            pltpu.VMEM((NBUF, CHUNK, D), jnp.float32),
        ]
        + [pltpu.SemaphoreType.DMA] * (2 * NBUF),
    )
    def embed(z_hbm, w_hbm, out_hbm, stable, idx_v, rows_v, *sems):
        gsems, wsems = sems[:NBUF], sems[NBUF:]
        sid = lax.axis_index("s")
        wid = sid * NC + lax.axis_index("c")
        base_chunk = wid * NCHUNK

        @pl.when(sid == 0)
        def _():
            pltpu.sync_copy(w_hbm, stable.at[pl.ds(1, V)])

        pltpu.sync_copy(z_hbm.at[pl.ds(base_chunk, NCHUNK)], idx_v)

        plsc.subcore_barrier()

        def gather(c, b):
            return pltpu.make_async_copy(
                stable.at[idx_v.at[c]], rows_v.at[b], gsems[b]
            )

        def write(c, b):
            return pltpu.make_async_copy(
                rows_v.at[b],
                out_hbm.at[pl.ds((base_chunk + c) * CHUNK, CHUNK)],
                wsems[b],
            )

        for b in range(NBUF):
            gather(b, b).start()

        def group(g, carry):
            base = g * NBUF
            for b in range(NBUF):
                gather(base + b, b).wait()
                write(base + b, b).start()
            for b in range(NBUF):
                c = base + b
                write(c, b).wait()

                @pl.when(c + NBUF < NCHUNK)
                def _():
                    gather(c + NBUF, b).start()

            return carry

        lax.fori_loop(0, NGRP, group, 0)

    return embed


def kernel(z, weight):
    (N,) = z.shape
    V, D = weight.shape
    z2 = z.reshape(N // CHUNK, CHUNK)
    return _make_embed(N, V, D)(z2, weight)

# --- scband reference (transcript-rebuilt; emitter-appended) ---
"""Pipeline reference for scband-embed-z-38998303048478 (READ-ONLY COPY).

The authoritative reference and input builder live on the scoring server;
editing this copy changes nothing except your own understanding.
"""

import math
import jax, jax.numpy as jnp
import numpy as np

N = 1048576
EMB_SIZE = 128
MAX_Z = 94

def setup_inputs(seed: int = 0) -> dict:
    key = jax.random.key(seed)
    k1, k2 = jax.random.split(key)
    # atomic numbers are 1..MAX_Z (forward subtracts 1), so sample in [1, MAX_Z)
    z = jax.random.randint(k1, (N,), 1, MAX_Z, dtype=jnp.int32)
    bound = math.sqrt(3.0)
    weight = jax.random.uniform(k2, (MAX_Z, EMB_SIZE), minval=-bound, maxval=bound, dtype=jnp.float32)
    return {"z": z, "weight": weight}

def reference(z, weight):
    # EmbedZ.forward: self.z_embed(z - 1)
    return jnp.take(weight, z - 1, axis=0)

if __name__ == "__main__":
    import jax
    _d = setup_inputs()
    print(jax.jit(kernel)(*tuple(_d.values())))

</pallas_src>

<mosaic_0001>
#map = affine_map<(d0, d1) -> (0, 0)>
module attributes {stable_mosaic.version = 14 : i64} {
  func.func @embed(%arg0: i32, %arg1: i32, %arg2: memref<8192x128xi32, #tpu.memory_space<hbm>>, %arg3: memref<94x128xf32, #tpu.memory_space<hbm>>, %arg4: memref<1048576x128xf32, #tpu.memory_space<hbm>>, %arg5: memref<95x128xf32, #tpu.memory_space<vmem_shared>>, %arg6: memref<256x128xi32, #tpu.memory_space<vmem>>, %arg7: memref<4x128x128xf32, #tpu.memory_space<vmem>>, %arg8: memref<!tpu.dma_semaphore, #tpu.memory_space<semaphore_mem>>, %arg9: memref<!tpu.dma_semaphore, #tpu.memory_space<semaphore_mem>>, %arg10: memref<!tpu.dma_semaphore, #tpu.memory_space<semaphore_mem>>, %arg11: memref<!tpu.dma_semaphore, #tpu.memory_space<semaphore_mem>>, %arg12: memref<!tpu.dma_semaphore, #tpu.memory_space<semaphore_mem>>, %arg13: memref<!tpu.dma_semaphore, #tpu.memory_space<semaphore_mem>>, %arg14: memref<!tpu.dma_semaphore, #tpu.memory_space<semaphore_mem>>, %arg15: memref<!tpu.dma_semaphore, #tpu.memory_space<semaphore_mem>>) attributes {dimension_semantics = [#tpu.dimension_semantics<core_parallel>, #tpu.dimension_semantics<subcore_parallel>], iteration_bounds = array<i64: 2, 16>, scalar_prefetch = 0 : i64, scratch_operands = 11 : i64, tpu.core_type = #tpu.core_type<sc_vector_subcore>, window_params = [{transform_indices = #map}, {transform_indices = #map}, {transform_indices = #map}]} {
    %mul3A = arith.constant 2 : i32
    %mul3A_0 = arith.muli %arg1, %mul3A : i32
    %add3A = arith.addi %mul3A_0, %arg0 : i32
    %mul3A_1 = arith.constant 256 : i32
    %mul3A_2 = arith.muli %add3A, %mul3A_1 : i32
    %eq3A = arith.constant 0 : i32
    %eq3A_3 = arith.cmpi eq, %arg1, %eq3A : i32
    %convert_element_type3A = arith.extui %eq3A_3 : i1 to i32
    %cond3A = arith.constant 0 : i32
    %cond3A_4 = arith.cmpi ne, %convert_element_type3A, %cond3A : i32
    scf.if %cond3A_4 {
      "tpu.region"() ({
        %run_scoped3A = tpu.sem_alloc : memref<!tpu.dma_semaphore, #tpu.memory_space<semaphore_mem>>
        %dma_start3A_57 = arith.constant 1 : i32
        %dma_start3A_58 = arith.constant 0 : i32
        %dma_start3A_59 = tpu.memref_slice %arg5[%dma_start3A_57, %dma_start3A_58] : memref<95x128xf32, #tpu.memory_space<vmem_shared>> -> memref<94x128xf32, #tpu.memory_space<vmem_shared>>
        tpu.enqueue_dma source(%arg3 : memref<94x128xf32, #tpu.memory_space<hbm>>) target(%dma_start3A_59 : memref<94x128xf32, #tpu.memory_space<vmem_shared>>) target_semaphore(%run_scoped3A : memref<!tpu.dma_semaphore, #tpu.memory_space<semaphore_mem>>)
        %dma_wait3A = arith.constant 1 : i32
        %dma_wait3A_60 = arith.constant 0 : i32
        %dma_wait3A_61 = tpu.memref_slice %arg5[%dma_wait3A, %dma_wait3A_60] : memref<95x128xf32, #tpu.memory_space<vmem_shared>> -> memref<94x128xf32, #tpu.memory_space<vmem_shared>>
        tpu.wait_dma2 semaphore(%run_scoped3A : memref<!tpu.dma_semaphore, #tpu.memory_space<semaphore_mem>>) src(%arg3 : memref<94x128xf32, #tpu.memory_space<hbm>>) dst(%dma_wait3A_61 : memref<94x128xf32, #tpu.memory_space<vmem_shared>>)
        tpu.yield
      }) : () -> ()
    } else {
    }
    "tpu.region"() ({
      %run_scoped3A = tpu.sem_alloc : memref<!tpu.dma_semaphore, #tpu.memory_space<semaphore_mem>>
      %dma_start3A_57 = arith.constant 0 : i32
      %dma_start3A_58 = tpu.memref_slice %arg2[%mul3A_2, %dma_start3A_57] : memref<8192x128xi32, #tpu.memory_space<hbm>> -> memref<256x128xi32, #tpu.memory_space<hbm>>
      %dma_start3A_59 = arith.constant 0 : i32
      %dma_start3A_60 = tpu.memref_slice %arg2[%mul3A_2, %dma_start3A_59] : memref<8192x128xi32, #tpu.memory_space<hbm>> -> memref<256x128xi32, #tpu.memory_space<hbm>>
      tpu.enqueue_dma source(%dma_start3A_60 : memref<256x128xi32, #tpu.memory_space<hbm>>) target(%arg6 : memref<256x128xi32, #tpu.memory_space<vmem>>) target_semaphore(%run_scoped3A : memref<!tpu.dma_semaphore, #tpu.memory_space<semaphore_mem>>)
      %dma_wait3A = arith.constant 0 : i32
      %dma_wait3A_61 = tpu.memref_slice %arg2[%mul3A_2, %dma_wait3A] : memref<8192x128xi32, #tpu.memory_space<hbm>> -> memref<256x128xi32, #tpu.memory_space<hbm>>
      %dma_wait3A_62 = arith.constant 0 : i32
      %dma_wait3A_63 = tpu.memref_slice %arg2[%mul3A_2, %dma_wait3A_62] : memref<8192x128xi32, #tpu.memory_space<hbm>> -> memref<256x128xi32, #tpu.memory_space<hbm>>
      tpu.wait_dma2 semaphore(%run_scoped3A : memref<!tpu.dma_semaphore, #tpu.memory_space<semaphore_mem>>) src(%dma_wait3A_63 : memref<256x128xi32, #tpu.memory_space<hbm>>) dst(%arg6 : memref<256x128xi32, #tpu.memory_space<vmem>>)
      tpu.yield
    }) : () -> ()
    %barrier3A = arith.constant 0 : index
    tpu.barrier barrier_id(%barrier3A)
    %dma_start3A = arith.constant 0 : i32
    %dma_start3A_5 = arith.constant 0 : i32
    %dma_start3A_6 = arith.constant 0 : i32
    %dma_start3A_7 = arith.constant 0 : i32
    %dma_start3A_8 = tpu.memref_slice %arg7[%dma_start3A_5, %dma_start3A_6, %dma_start3A_7] : memref<4x128x128xf32, #tpu.memory_space<vmem>> -> memref<1x128x128xf32, #tpu.memory_space<vmem>>
    %dma_start3A_9 = tpu.memref_squeeze %dma_start3A_8 : memref<1x128x128xf32, #tpu.memory_space<vmem>> -> memref<128x128xf32, #tpu.memory_space<vmem>>
    %dma_start3A_10 = arith.constant 0 : i32
    %dma_start3A_11 = tpu.memref_slice %arg6[%dma_start3A, %dma_start3A_10] : memref<256x128xi32, #tpu.memory_space<vmem>> -> memref<1x128xi32, #tpu.memory_space<vmem>>
    %dma_start3A_12 = tpu.memref_squeeze %dma_start3A_11 : memref<1x128xi32, #tpu.memory_space<vmem>> -> memref<128xi32, #tpu.memory_space<vmem>>
    %dma_start3A_13 = arith.constant 0 : i32
    %dma_start3A_14 = arith.constant 0 : i32
    %dma_start3A_15 = tpu.memref_slice %arg5[%dma_start3A_13, %dma_start3A_14] : memref<95x128xf32, #tpu.memory_space<vmem_shared>> -> memref<95x128xf32, #tpu.memory_space<vmem_shared>>
    tpu.enqueue_indirect_dma source(%dma_start3A_15 : memref<95x128xf32, #tpu.memory_space<vmem_shared>>) target(%dma_start3A_9 : memref<128x128xf32, #tpu.memory_space<vmem>>) offsets(%dma_start3A_12 : memref<128xi32, #tpu.memory_space<vmem>>) semaphore(%arg8 : memref<!tpu.dma_semaphore, #tpu.memory_space<semaphore_mem>>)
    %dma_start3A_16 = arith.constant 1 : i32
    %dma_start3A_17 = arith.constant 1 : i32
    %dma_start3A_18 = arith.constant 0 : i32
    %dma_start3A_19 = arith.constant 0 : i32
    %dma_start3A_20 = tpu.memref_slice %arg7[%dma_start3A_17, %dma_start3A_18, %dma_start3A_19] : memref<4x128x128xf32, #tpu.memory_space<vmem>> -> memref<1x128x128xf32, #tpu.memory_space<vmem>>
    %dma_start3A_21 = tpu.memref_squeeze %dma_start3A_20 : memref<1x128x128xf32, #tpu.memory_space<vmem>> -> memref<128x128xf32, #tpu.memory_space<vmem>>
    %dma_start3A_22 = arith.constant 0 : i32
    %dma_start3A_23 = tpu.memref_slice %arg6[%dma_start3A_16, %dma_start3A_22] : memref<256x128xi32, #tpu.memory_space<vmem>> -> memref<1x128xi32, #tpu.memory_space<vmem>>
    %dma_start3A_24 = tpu.memref_squeeze %dma_start3A_23 : memref<1x128xi32, #tpu.memory_space<vmem>> -> memref<128xi32, #tpu.memory_space<vmem>>
    %dma_start3A_25 = arith.constant 0 : i32
    %dma_start3A_26 = arith.constant 0 : i32
    %dma_start3A_27 = tpu.memref_slice %arg5[%dma_start3A_25, %dma_start3A_26] : memref<95x128xf32, #tpu.memory_space<vmem_shared>> -> memref<95x128xf32, #tpu.memory_space<vmem_shared>>
    tpu.enqueue_indirect_dma source(%dma_start3A_27 : memref<95x128xf32, #tpu.memory_space<vmem_shared>>) target(%dma_start3A_21 : memref<128x128xf32, #tpu.memory_space<vmem>>) offsets(%dma_start3A_24 : memref<128xi32, #tpu.memory_space<vmem>>) semaphore(%arg9 : memref<!tpu.dma_semaphore, #tpu.memory_space<semaphore_mem>>)
    %dma_start3A_28 = arith.constant 2 : i32
    %dma_start3A_29 = arith.constant 2 : i32
    %dma_start3A_30 = arith.constant 0 : i32
    %dma_start3A_31 = arith.constant 0 : i32
    %dma_start3A_32 = tpu.memref_slice %arg7[%dma_start3A_29, %dma_start3A_30, %dma_start3A_31] : memref<4x128x128xf32, #tpu.memory_space<vmem>> -> memref<1x128x128xf32, #tpu.memory_space<vmem>>
    %dma_start3A_33 = tpu.memref_squeeze %dma_start3A_32 : memref<1x128x128xf32, #tpu.memory_space<vmem>> -> memref<128x128xf32, #tpu.memory_space<vmem>>
    %dma_start3A_34 = arith.constant 0 : i32
    %dma_start3A_35 = tpu.memref_slice %arg6[%dma_start3A_28, %dma_start3A_34] : memref<256x128xi32, #tpu.memory_space<vmem>> -> memref<1x128xi32, #tpu.memory_space<vmem>>
    %dma_start3A_36 = tpu.memref_squeeze %dma_start3A_35 : memref<1x128xi32, #tpu.memory_space<vmem>> -> memref<128xi32, #tpu.memory_space<vmem>>
    %dma_start3A_37 = arith.constant 0 : i32
    %dma_start3A_38 = arith.constant 0 : i32
    %dma_start3A_39 = tpu.memref_slice %arg5[%dma_start3A_37, %dma_start3A_38] : memref<95x128xf32, #tpu.memory_space<vmem_shared>> -> memref<95x128xf32, #tpu.memory_space<vmem_shared>>
    tpu.enqueue_indirect_dma source(%dma_start3A_39 : memref<95x128xf32, #tpu.memory_space<vmem_shared>>) target(%dma_start3A_33 : memref<128x128xf32, #tpu.memory_space<vmem>>) offsets(%dma_start3A_36 : memref<128xi32, #tpu.memory_space<vmem>>) semaphore(%arg10 : memref<!tpu.dma_semaphore, #tpu.memory_space<semaphore_mem>>)
    %dma_start3A_40 = arith.constant 3 : i32
    %dma_start3A_41 = arith.constant 3 : i32
    %dma_start3A_42 = arith.constant 0 : i32
    %dma_start3A_43 = arith.constant 0 : i32
    %dma_start3A_44 = tpu.memref_slice %arg7[%dma_start3A_41, %dma_start3A_42, %dma_start3A_43] : memref<4x128x128xf32, #tpu.memory_space<vmem>> -> memref<1x128x128xf32, #tpu.memory_space<vmem>>
    %dma_start3A_45 = tpu.memref_squeeze %dma_start3A_44 : memref<1x128x128xf32, #tpu.memory_space<vmem>> -> memref<128x128xf32, #tpu.memory_space<vmem>>
    %dma_start3A_46 = arith.constant 0 : i32
    %dma_start3A_47 = tpu.memref_slice %arg6[%dma_start3A_40, %dma_start3A_46] : memref<256x128xi32, #tpu.memory_space<vmem>> -> memref<1x128xi32, #tpu.memory_space<vmem>>
    %dma_start3A_48 = tpu.memref_squeeze %dma_start3A_47 : memref<1x128xi32, #tpu.memory_space<vmem>> -> memref<128xi32, #tpu.memory_space<vmem>>
    %dma_start3A_49 = arith.constant 0 : i32
    %dma_start3A_50 = arith.constant 0 : i32
    %dma_start3A_51 = tpu.memref_slice %arg5[%dma_start3A_49, %dma_start3A_50] : memref<95x128xf32, #tpu.memory_space<vmem_shared>> -> memref<95x128xf32, #tpu.memory_space<vmem_shared>>
    tpu.enqueue_indirect_dma source(%dma_start3A_51 : memref<95x128xf32, #tpu.memory_space<vmem_shared>>) target(%dma_start3A_45 : memref<128x128xf32, #tpu.memory_space<vmem>>) offsets(%dma_start3A_48 : memref<128xi32, #tpu.memory_space<vmem>>) semaphore(%arg11 : memref<!tpu.dma_semaphore, #tpu.memory_space<semaphore_mem>>)
    %scan3A = arith.constant 0 : i32
    %scan3A_52 = arith.constant 0 : i32
    %scan3A_53 = arith.constant 64 : i32
    %scan3A_54 = arith.addi %scan3A_52, %scan3A_53 : i32
    %scan3A_55 = arith.constant 1 : i32
    scf.for %scan3A_57 = %scan3A_52 to %scan3A_54 step %scan3A_55  : i32 {
      %mul3A_58 = arith.constant 4 : i32
      %mul3A_59 = arith.muli %scan3A_57, %mul3A_58 : i32
      %add3A_60 = arith.constant 0 : i32
      %add3A_61 = arith.addi %mul3A_59, %add3A_60 : i32
      %dma_wait3A = arith.constant 0 : i32
      %dma_wait3A_62 = arith.constant 0 : i32
      %dma_wait3A_63 = arith.constant 0 : i32
      %dma_wait3A_64 = tpu.memref_slice %arg7[%dma_wait3A, %dma_wait3A_62, %dma_wait3A_63] : memref<4x128x128xf32, #tpu.memory_space<vmem>> -> memref<1x128x128xf32, #tpu.memory_space<vmem>>
      %dma_wait3A_65 = tpu.memref_squeeze %dma_wait3A_64 : memref<1x128x128xf32, #tpu.memory_space<vmem>> -> memref<128x128xf32, #tpu.memory_space<vmem>>
      %dma_wait3A_66 = arith.constant 0 : i32
      %dma_wait3A_67 = tpu.memref_slice %arg6[%add3A_61, %dma_wait3A_66] : memref<256x128xi32, #tpu.memory_space<vmem>> -> memref<1x128xi32, #tpu.memory_space<vmem>>
      %dma_wait3A_68 = tpu.memref_squeeze %dma_wait3A_67 : memref<1x128xi32, #tpu.memory_space<vmem>> -> memref<128xi32, #tpu.memory_space<vmem>>
      %dma_wait3A_69 = arith.constant 0 : i32
      %dma_wait3A_70 = arith.constant 0 : i32
      %dma_wait3A_71 = tpu.memref_slice %arg5[%dma_wait3A_69, %dma_wait3A_70] : memref<95x128xf32, #tpu.memory_space<vmem_shared>> -> memref<95x128xf32, #tpu.memory_space<vmem_shared>>
      tpu.wait_indirect_dma semaphore(%arg8 : memref<!tpu.dma_semaphore, #tpu.memory_space<semaphore_mem>>) src(%dma_wait3A_71 : memref<95x128xf32, #tpu.memory_space<vmem_shared>>) dst(%dma_wait3A_65 : memref<128x128xf32, #tpu.memory_space<vmem>>)
      %add3A_72 = arith.constant 0 : i32
      %add3A_73 = arith.addi %mul3A_59, %add3A_72 : i32
      %add3A_74 = arith.addi %mul3A_2, %add3A_73 : i32
      %mul3A_75 = arith.constant 128 : i32
      %mul3A_76 = arith.muli %add3A_74, %mul3A_75 : i32
      %dma_start3A_77 = arith.constant 0 : i32
      %dma_start3A_78 = arith.constant 0 : i32
      %dma_start3A_79 = arith.constant 0 : i32
      %dma_start3A_80 = tpu.memref_slice %arg7[%dma_start3A_77, %dma_start3A_78, %dma_start3A_79] : memref<4x128x128xf32, #tpu.memory_space<vmem>> -> memref<1x128x128xf32, #tpu.memory_space<vmem>>
      %dma_start3A_81 = tpu.memref_squeeze %dma_start3A_80 : memref<1x128x128xf32, #tpu.memory_space<vmem>> -> memref<128x128xf32, #tpu.memory_space<vmem>>
      %dma_start3A_82 = arith.constant 0 : i32
      %dma_start3A_83 = tpu.memref_slice %arg4[%mul3A_76, %dma_start3A_82] : memref<1048576x128xf32, #tpu.memory_space<hbm>> -> memref<128x128xf32, #tpu.memory_space<hbm>>
      %dma_start3A_84 = arith.constant 0 : i32
      %dma_start3A_85 = tpu.memref_slice %arg4[%mul3A_76, %dma_start3A_84] : memref<1048576x128xf32, #tpu.memory_space<hbm>> -> memref<128x128xf32, #tpu.memory_space<hbm>>
      %dma_start3A_86 = arith.constant 0 : i32
      %dma_start3A_87 = arith.constant 0 : i32
      %dma_start3A_88 = tpu.memref_slice %arg7[%dma_start3A_77, %dma_start3A_86, %dma_start3A_87] : memref<4x128x128xf32, #tpu.memory_space<vmem>> -> memref<1x128x128xf32, #tpu.memory_space<vmem>>
      %dma_start3A_89 = tpu.memref_squeeze %dma_start3A_88 : memref<1x128x128xf32, #tpu.memory_space<vmem>> -> memref<128x128xf32, #tpu.memory_space<vmem>>
      tpu.enqueue_dma source(%dma_start3A_89 : memref<128x128xf32, #tpu.memory_space<vmem>>) target(%dma_start3A_85 : memref<128x128xf32, #tpu.memory_space<hbm>>) target_semaphore(%arg12 : memref<!tpu.dma_semaphore, #tpu.memory_space<semaphore_mem>>)
      %add3A_90 = arith.constant 1 : i32
      %add3A_91 = arith.addi %mul3A_59, %add3A_90 : i32
      %dma_wait3A_92 = arith.constant 1 : i32
      %dma_wait3A_93 = arith.constant 0 : i32
      %dma_wait3A_94 = arith.constant 0 : i32
      %dma_wait3A_95 = tpu.memref_slice %arg7[%dma_wait3A_92, %dma_wait3A_93, %dma_wait3A_94] : memref<4x128x128xf32, #tpu.memory_space<vmem>> -> memref<1x128x128xf32, #tpu.memory_space<vmem>>
      %dma_wait3A_96 = tpu.memref_squeeze %dma_wait3A_95 : memref<1x128x128xf32, #tpu.memory_space<vmem>> -> memref<128x128xf32, #tpu.memory_space<vmem>>
      %dma_wait3A_97 = arith.constant 0 : i32
      %dma_wait3A_98 = tpu.memref_slice %arg6[%add3A_91, %dma_wait3A_97] : memref<256x128xi32, #tpu.memory_space<vmem>> -> memref<1x128xi32, #tpu.memory_space<vmem>>
      %dma_wait3A_99 = tpu.memref_squeeze %dma_wait3A_98 : memref<1x128xi32, #tpu.memory_space<vmem>> -> memref<128xi32, #tpu.memory_space<vmem>>
      %dma_wait3A_100 = arith.constant 0 : i32
      %dma_wait3A_101 = arith.constant 0 : i32
      %dma_wait3A_102 = tpu.memref_slice %arg5[%dma_wait3A_100, %dma_wait3A_101] : memref<95x128xf32, #tpu.memory_space<vmem_shared>> -> memref<95x128xf32, #tpu.memory_space<vmem_shared>>
      tpu.wait_indirect_dma semaphore(%arg9 : memref<!tpu.dma_semaphore, #tpu.memory_space<semaphore_mem>>) src(%dma_wait3A_102 : memref<95x128xf32, #tpu.memory_space<vmem_shared>>) dst(%dma_wait3A_96 : memref<128x128xf32, #tpu.memory_space<vmem>>)
      %add3A_103 = arith.constant 1 : i32
      %add3A_104 = arith.addi %mul3A_59, %add3A_103 : i32
      %add3A_105 = arith.addi %mul3A_2, %add3A_104 : i32
      %mul3A_106 = arith.constant 128 : i32
      %mul3A_107 = arith.muli %add3A_105, %mul3A_106 : i32
      %dma_start3A_108 = arith.constant 1 : i32
      %dma_start3A_109 = arith.constant 0 : i32
      %dma_start3A_110 = arith.constant 0 : i32
      %dma_start3A_111 = tpu.memref_slice %arg7[%dma_start3A_108, %dma_start3A_109, %dma_start3A_110] : memref<4x128x128xf32, #tpu.memory_space<vmem>> -> memref<1x128x128xf32, #tpu.memory_space<vmem>>
      %dma_start3A_112 = tpu.memref_squeeze %dma_start3A_111 : memref<1x128x128xf32, #tpu.memory_space<vmem>> -> memref<128x128xf32, #tpu.memory_space<vmem>>
      %dma_start3A_113 = arith.constant 0 : i32
      %dma_start3A_114 = tpu.memref_slice %arg4[%mul3A_107, %dma_start3A_113] : memref<1048576x128xf32, #tpu.memory_space<hbm>> -> memref<128x128xf32, #tpu.memory_space<hbm>>
      %dma_start3A_115 = arith.constant 0 : i32
      %dma_start3A_116 = tpu.memref_slice %arg4[%mul3A_107, %dma_start3A_115] : memref<1048576x128xf32, #tpu.memory_space<hbm>> -> memref<128x128xf32, #tpu.memory_space<hbm>>
      %dma_start3A_117 = arith.constant 0 : i32
      %dma_start3A_118 = arith.constant 0 : i32
      %dma_start3A_119 = tpu.memref_slice %arg7[%dma_start3A_108, %dma_start3A_117, %dma_start3A_118] : memref<4x128x128xf32, #tpu.memory_space<vmem>> -> memref<1x128x128xf32, #tpu.memory_space<vmem>>
      %dma_start3A_120 = tpu.memref_squeeze %dma_start3A_119 : memref<1x128x128xf32, #tpu.memory_space<vmem>> -> memref<128x128xf32, #tpu.memory_space<vmem>>
      tpu.enqueue_dma source(%dma_start3A_120 : memref<128x128xf32, #tpu.memory_space<vmem>>) target(%dma_start3A_116 : memref<128x128xf32, #tpu.memory_space<hbm>>) target_semaphore(%arg13 : memref<!tpu.dma_semaphore, #tpu.memory_space<semaphore_mem>>)
      %add3A_121 = arith.constant 2 : i32
      %add3A_122 = arith.addi %mul3A_59, %add3A_121 : i32
      %dma_wait3A_123 = arith.constant 2 : i32
      %dma_wait3A_124 = arith.constant 0 : i32
      %dma_wait3A_125 = arith.constant 0 : i32
      %dma_wait3A_126 = tpu.memref_slice %arg7[%dma_wait3A_123, %dma_wait3A_124, %dma_wait3A_125] : memref<4x128x128xf32, #tpu.memory_space<vmem>> -> memref<1x128x128xf32, #tpu.memory_space<vmem>>
      %dma_wait3A_127 = tpu.memref_squeeze %dma_wait3A_126 : memref<1x128x128xf32, #tpu.memory_space<vmem>> -> memref<128x128xf32, #tpu.memory_space<vmem>>
      %dma_wait3A_128 = arith.constant 0 : i32
      %dma_wait3A_129 = tpu.memref_slice %arg6[%add3A_122, %dma_wait3A_128] : memref<256x128xi32, #tpu.memory_space<vmem>> -> memref<1x128xi32, #tpu.memory_space<vmem>>
      %dma_wait3A_130 = tpu.memref_squeeze %dma_wait3A_129 : memref<1x128xi32, #tpu.memory_space<vmem>> -> memref<128xi32, #tpu.memory_space<vmem>>
      %dma_wait3A_131 = arith.constant 0 : i32
      %dma_wait3A_132 = arith.constant 0 : i32
      %dma_wait3A_133 = tpu.memref_slice %arg5[%dma_wait3A_131, %dma_wait3A_132] : memref<95x128xf32, #tpu.memory_space<vmem_shared>> -> memref<95x128xf32, #tpu.memory_space<vmem_shared>>
      tpu.wait_indirect_dma semaphore(%arg10 : memref<!tpu.dma_semaphore, #tpu.memory_space<semaphore_mem>>) src(%dma_wait3A_133 : memref<95x128xf32, #tpu.memory_space<vmem_shared>>) dst(%dma_wait3A_127 : memref<128x128xf32, #tpu.memory_space<vmem>>)
      %add3A_134 = arith.constant 2 : i32
      %add3A_135 = arith.addi %mul3A_59, %add3A_134 : i32
      %add3A_136 = arith.addi %mul3A_2, %add3A_135 : i32
      %mul3A_137 = arith.constant 128 : i32
      %mul3A_138 = arith.muli %add3A_136, %mul3A_137 : i32
      %dma_start3A_139 = arith.constant 2 : i32
      %dma_start3A_140 = arith.constant 0 : i32
      %dma_start3A_141 = arith.constant 0 : i32
      %dma_start3A_142 = tpu.memref_slice %arg7[%dma_start3A_139, %dma_start3A_140, %dma_start3A_141] : memref<4x128x128xf32, #tpu.memory_space<vmem>> -> memref<1x128x128xf32, #tpu.memory_space<vmem>>
      %dma_start3A_143 = tpu.memref_squeeze %dma_start3A_142 : memref<1x128x128xf32, #tpu.memory_space<vmem>> -> memref<128x128xf32, #tpu.memory_space<vmem>>
      %dma_start3A_144 = arith.constant 0 : i32
      %dma_start3A_145 = tpu.memref_slice %arg4[%mul3A_138, %dma_start3A_144] : memref<1048576x128xf32, #tpu.memory_space<hbm>> -> memref<128x128xf32, #tpu.memory_space<hbm>>
      %dma_start3A_146 = arith.constant 0 : i32
      %dma_start3A_147 = tpu.memref_slice %arg4[%mul3A_138, %dma_start3A_146] : memref<1048576x128xf32, #tpu.memory_space<hbm>> -> memref<128x128xf32, #tpu.memory_space<hbm>>
      %dma_start3A_148 = arith.constant 0 : i32
      %dma_start3A_149 = arith.constant 0 : i32
      %dma_start3A_150 = tpu.memref_slice %arg7[%dma_start3A_139, %dma_start3A_148, %dma_start3A_149] : memref<4x128x128xf32, #tpu.memory_space<vmem>> -> memref<1x128x128xf32, #tpu.memory_space<vmem>>
      %dma_start3A_151 = tpu.memref_squeeze %dma_start3A_150 : memref<1x128x128xf32, #tpu.memory_space<vmem>> -> memref<128x128xf32, #tpu.memory_space<vmem>>
      tpu.enqueue_dma source(%dma_start3A_151 : memref<128x128xf32, #tpu.memory_space<vmem>>) target(%dma_start3A_147 : memref<128x128xf32, #tpu.memory_space<hbm>>) target_semaphore(%arg14 : memref<!tpu.dma_semaphore, #tpu.memory_space<semaphore_mem>>)
      %add3A_152 = arith.constant 3 : i32
      %add3A_153 = arith.addi %mul3A_59, %add3A_152 : i32
      %dma_wait3A_154 = arith.constant 3 : i32
      %dma_wait3A_155 = arith.constant 0 : i32
      %dma_wait3A_156 = arith.constant 0 : i32
      %dma_wait3A_157 = tpu.memref_slice %arg7[%dma_wait3A_154, %dma_wait3A_155, %dma_wait3A_156] : memref<4x128x128xf32, #tpu.memory_space<vmem>> -> memref<1x128x128xf32, #tpu.memory_space<vmem>>
      %dma_wait3A_158 = tpu.memref_squeeze %dma_wait3A_157 : memref<1x128x128xf32, #tpu.memory_space<vmem>> -> memref<128x128xf32, #tpu.memory_space<vmem>>
      %dma_wait3A_159 = arith.constant 0 : i32
      %dma_wait3A_160 = tpu.memref_slice %arg6[%add3A_153, %dma_wait3A_159] : memref<256x128xi32, #tpu.memory_space<vmem>> -> memref<1x128xi32, #tpu.memory_space<vmem>>
      %dma_wait3A_161 = tpu.memref_squeeze %dma_wait3A_160 : memref<1x128xi32, #tpu.memory_space<vmem>> -> memref<128xi32, #tpu.memory_space<vmem>>
      %dma_wait3A_162 = arith.constant 0 : i32
      %dma_wait3A_163 = arith.constant 0 : i32
      %dma_wait3A_164 = tpu.memref_slice %arg5[%dma_wait3A_162, %dma_wait3A_163] : memref<95x128xf32, #tpu.memory_space<vmem_shared>> -> memref<95x128xf32, #tpu.memory_space<vmem_shared>>
      tpu.wait_indirect_dma semaphore(%arg11 : memref<!tpu.dma_semaphore, #tpu.memory_space<semaphore_mem>>) src(%dma_wait3A_164 : memref<95x128xf32, #tpu.memory_space<vmem_shared>>) dst(%dma_wait3A_158 : memref<128x128xf32, #tpu.memory_space<vmem>>)
      %add3A_165 = arith.constant 3 : i32
      %add3A_166 = arith.addi %mul3A_59, %add3A_165 : i32
      %add3A_167 = arith.addi %mul3A_2, %add3A_166 : i32
      %mul3A_168 = arith.constant 128 : i32
      %mul3A_169 = arith.muli %add3A_167, %mul3A_168 : i32
      %dma_start3A_170 = arith.constant 3 : i32
      %dma_start3A_171 = arith.constant 0 : i32
      %dma_start3A_172 = arith.constant 0 : i32
      %dma_start3A_173 = tpu.memref_slice %arg7[%dma_start3A_170, %dma_start3A_171, %dma_start3A_172] : memref<4x128x128xf32, #tpu.memory_space<vmem>> -> memref<1x128x128xf32, #tpu.memory_space<vmem>>
      %dma_start3A_174 = tpu.memref_squeeze %dma_start3A_173 : memref<1x128x128xf32, #tpu.memory_space<vmem>> -> memref<128x128xf32, #tpu.memory_space<vmem>>
      %dma_start3A_175 = arith.constant 0 : i32
      %dma_start3A_176 = tpu.memref_slice %arg4[%mul3A_169, %dma_start3A_175] : memref<1048576x128xf32, #tpu.memory_space<hbm>> -> memref<128x128xf32, #tpu.memory_space<hbm>>
      %dma_start3A_177 = arith.constant 0 : i32
      %dma_start3A_178 = tpu.memref_slice %arg4[%mul3A_169, %dma_start3A_177] : memref<1048576x128xf32, #tpu.memory_space<hbm>> -> memref<128x128xf32, #tpu.memory_space<hbm>>
      %dma_start3A_179 = arith.constant 0 : i32
      %dma_start3A_180 = arith.constant 0 : i32
      %dma_start3A_181 = tpu.memref_slice %arg7[%dma_start3A_170, %dma_start3A_179, %dma_start3A_180] : memref<4x128x128xf32, #tpu.memory_space<vmem>> -> memref<1x128x128xf32, #tpu.memory_space<vmem>>
      %dma_start3A_182 = tpu.memref_squeeze %dma_start3A_181 : memref<1x128x128xf32, #tpu.memory_space<vmem>> -> memref<128x128xf32, #tpu.memory_space<vmem>>
      tpu.enqueue_dma source(%dma_start3A_182 : memref<128x128xf32, #tpu.memory_space<vmem>>) target(%dma_start3A_178 : memref<128x128xf32, #tpu.memory_space<hbm>>) target_semaphore(%arg15 : memref<!tpu.dma_semaphore, #tpu.memory_space<semaphore_mem>>)
      %add3A_183 = arith.constant 0 : i32
      %add3A_184 = arith.addi %mul3A_59, %add3A_183 : i32
      %add3A_185 = arith.addi %mul3A_2, %add3A_184 : i32
      %mul3A_186 = arith.constant 128 : i32
      %mul3A_187 = arith.muli %add3A_185, %mul3A_186 : i32
      %dma_wait3A_188 = arith.constant 0 : i32
      %dma_wait3A_189 = arith.constant 0 : i32
      %dma_wait3A_190 = arith.constant 0 : i32
      %dma_wait3A_191 = tpu.memref_slice %arg7[%dma_wait3A_188, %dma_wait3A_189, %dma_wait3A_190] : memref<4x128x128xf32, #tpu.memory_space<vmem>> -> memref<1x128x128xf32, #tpu.memory_space<vmem>>
      %dma_wait3A_192 = tpu.memref_squeeze %dma_wait3A_191 : memref<1x128x128xf32, #tpu.memory_space<vmem>> -> memref<128x128xf32, #tpu.memory_space<vmem>>
      %dma_wait3A_193 = arith.constant 0 : i32
      %dma_wait3A_194 = tpu.memref_slice %arg4[%mul3A_187, %dma_wait3A_193] : memref<1048576x128xf32, #tpu.memory_space<hbm>> -> memref<128x128xf32, #tpu.memory_space<hbm>>
      %dma_wait3A_195 = arith.constant 0 : i32
      %dma_wait3A_196 = tpu.memref_slice %arg4[%mul3A_187, %dma_wait3A_195] : memref<1048576x128xf32, #tpu.memory_space<hbm>> -> memref<128x128xf32, #tpu.memory_space<hbm>>
      %dma_wait3A_197 = arith.constant 0 : i32
      %dma_wait3A_198 = arith.constant 0 : i32
      %dma_wait3A_199 = tpu.memref_slice %arg7[%dma_wait3A_188, %dma_wait3A_197, %dma_wait3A_198] : memref<4x128x128xf32, #tpu.memory_space<vmem>> -> memref<1x128x128xf32, #tpu.memory_space<vmem>>
      %dma_wait3A_200 = tpu.memref_squeeze %dma_wait3A_199 : memref<1x128x128xf32, #tpu.memory_space<vmem>> -> memref<128x128xf32, #tpu.memory_space<vmem>>
      tpu.wait_dma2 semaphore(%arg12 : memref<!tpu.dma_semaphore, #tpu.memory_space<semaphore_mem>>) src(%dma_wait3A_200 : memref<128x128xf32, #tpu.memory_space<vmem>>) dst(%dma_wait3A_196 : memref<128x128xf32, #tpu.memory_space<hbm>>)
      %add3A_201 = arith.constant 4 : i32
      %add3A_202 = arith.addi %add3A_184, %add3A_201 : i32
      %lt3A = arith.constant 256 : i32
      %lt3A_203 = arith.cmpi slt, %add3A_202, %lt3A : i32
      %convert_element_type3A_204 = arith.extui %lt3A_203 : i1 to i32
      %cond3A_205 = arith.constant 0 : i32
      %cond3A_206 = arith.cmpi ne, %convert_element_type3A_204, %cond3A_205 : i32
      scf.if %cond3A_206 {
        %add3A_282 = arith.constant 4 : i32
        %add3A_283 = arith.addi %add3A_184, %add3A_282 : i32
        %dma_start3A_284 = arith.constant 0 : i32
        %dma_start3A_285 = arith.constant 0 : i32
        %dma_start3A_286 = arith.constant 0 : i32
        %dma_start3A_287 = tpu.memref_slice %arg7[%dma_start3A_284, %dma_start3A_285, %dma_start3A_286] : memref<4x128x128xf32, #tpu.memory_space<vmem>> -> memref<1x128x128xf32, #tpu.memory_space<vmem>>
        %dma_start3A_288 = tpu.memref_squeeze %dma_start3A_287 : memref<1x128x128xf32, #tpu.memory_space<vmem>> -> memref<128x128xf32, #tpu.memory_space<vmem>>
        %dma_start3A_289 = arith.constant 0 : i32
        %dma_start3A_290 = tpu.memref_slice %arg6[%add3A_283, %dma_start3A_289] : memref<256x128xi32, #tpu.memory_space<vmem>> -> memref<1x128xi32, #tpu.memory_space<vmem>>
        %dma_start3A_291 = tpu.memref_squeeze %dma_start3A_290 : memref<1x128xi32, #tpu.memory_space<vmem>> -> memref<128xi32, #tpu.memory_space<vmem>>
        %dma_start3A_292 = arith.constant 0 : i32
        %dma_start3A_293 = arith.constant 0 : i32
        %dma_start3A_294 = tpu.memref_slice %arg5[%dma_start3A_292, %dma_start3A_293] : memref<95x128xf32, #tpu.memory_space<vmem_shared>> -> memref<95x128xf32, #tpu.memory_space<vmem_shared>>
        tpu.enqueue_indirect_dma source(%dma_start3A_294 : memref<95x128xf32, #tpu.memory_space<vmem_shared>>) target(%dma_start3A_288 : memref<128x128xf32, #tpu.memory_space<vmem>>) offsets(%dma_start3A_291 : memref<128xi32, #tpu.memory_space<vmem>>) semaphore(%arg8 : memref<!tpu.dma_semaphore, #tpu.memory_space<semaphore_mem>>)
      } else {
      }
      %add3A_207 = arith.constant 1 : i32
      %add3A_208 = arith.addi %mul3A_59, %add3A_207 : i32
      %add3A_209 = arith.addi %mul3A_2, %add3A_208 : i32
      %mul3A_210 = arith.constant 128 : i32
      %mul3A_211 = arith.muli %add3A_209, %mul3A_210 : i32
      %dma_wait3A_212 = arith.constant 1 : i32
      %dma_wait3A_213 = arith.constant 0 : i32
      %dma_wait3A_214 = arith.constant 0 : i32
      %dma_wait3A_215 = tpu.memref_slice %arg7[%dma_wait3A_212, %dma_wait3A_213, %dma_wait3A_214] : memref<4x128x128xf32, #tpu.memory_space<vmem>> -> memref<1x128x128xf32, #tpu.memory_space<vmem>>
      %dma_wait3A_216 = tpu.memref_squeeze %dma_wait3A_215 : memref<1x128x128xf32, #tpu.memory_space<vmem>> -> memref<128x128xf32, #tpu.memory_space<vmem>>
      %dma_wait3A_217 = arith.constant 0 : i32
      %dma_wait3A_218 = tpu.memref_slice %arg4[%mul3A_211, %dma_wait3A_217] : memref<1048576x128xf32, #tpu.memory_space<hbm>> -> memref<128x128xf32, #tpu.memory_space<hbm>>
      %dma_wait3A_219 = arith.constant 0 : i32
      %dma_wait3A_220 = tpu.memref_slice %arg4[%mul3A_211, %dma_wait3A_219] : memref<1048576x128xf32, #tpu.memory_space<hbm>> -> memref<128x128xf32, #tpu.memory_space<hbm>>
      %dma_wait3A_221 = arith.constant 0 : i32
      %dma_wait3A_222 = arith.constant 0 : i32
      %dma_wait3A_223 = tpu.memref_slice %arg7[%dma_wait3A_212, %dma_wait3A_221, %dma_wait3A_222] : memref<4x128x128xf32, #tpu.memory_space<vmem>> -> memref<1x128x128xf32, #tpu.memory_space<vmem>>
      %dma_wait3A_224 = tpu.memref_squeeze %dma_wait3A_223 : memref<1x128x128xf32, #tpu.memory_space<vmem>> -> memref<128x128xf32, #tpu.memory_space<vmem>>
      tpu.wait_dma2 semaphore(%arg13 : memref<!tpu.dma_semaphore, #tpu.memory_space<semaphore_mem>>) src(%dma_wait3A_224 : memref<128x128xf32, #tpu.memory_space<vmem>>) dst(%dma_wait3A_220 : memref<128x128xf32, #tpu.memory_space<hbm>>)
      %add3A_225 = arith.constant 4 : i32
      %add3A_226 = arith.addi %add3A_208, %add3A_225 : i32
      %lt3A_227 = arith.constant 256 : i32
      %lt3A_228 = arith.cmpi slt, %add3A_226, %lt3A_227 : i32
      %convert_element_type3A_229 = arith.extui %lt3A_228 : i1 to i32
      %cond3A_230 = arith.constant 0 : i32
      %cond3A_231 = arith.cmpi ne, %convert_element_type3A_229, %cond3A_230 : i32
      scf.if %cond3A_231 {
        %add3A_282 = arith.constant 4 : i32
        %add3A_283 = arith.addi %add3A_208, %add3A_282 : i32
        %dma_start3A_284 = arith.constant 1 : i32
        %dma_start3A_285 = arith.constant 0 : i32
        %dma_start3A_286 = arith.constant 0 : i32
        %dma_start3A_287 = tpu.memref_slice %arg7[%dma_start3A_284, %dma_start3A_285, %dma_start3A_286] : memref<4x128x128xf32, #tpu.memory_space<vmem>> -> memref<1x128x128xf32, #tpu.memory_space<vmem>>
        %dma_start3A_288 = tpu.memref_squeeze %dma_start3A_287 : memref<1x128x128xf32, #tpu.memory_space<vmem>> -> memref<128x128xf32, #tpu.memory_space<vmem>>
        %dma_start3A_289 = arith.constant 0 : i32
        %dma_start3A_290 = tpu.memref_slice %arg6[%add3A_283, %dma_start3A_289] : memref<256x128xi32, #tpu.memory_space<vmem>> -> memref<1x128xi32, #tpu.memory_space<vmem>>
        %dma_start3A_291 = tpu.memref_squeeze %dma_start3A_290 : memref<1x128xi32, #tpu.memory_space<vmem>> -> memref<128xi32, #tpu.memory_space<vmem>>
        %dma_start3A_292 = arith.constant 0 : i32
        %dma_start3A_293 = arith.constant 0 : i32
        %dma_start3A_294 = tpu.memref_slice %arg5[%dma_start3A_292, %dma_start3A_293] : memref<95x128xf32, #tpu.memory_space<vmem_shared>> -> memref<95x128xf32, #tpu.memory_space<vmem_shared>>
        tpu.enqueue_indirect_dma source(%dma_start3A_294 : memref<95x128xf32, #tpu.memory_space<vmem_shared>>) target(%dma_start3A_288 : memref<128x128xf32, #tpu.memory_space<vmem>>) offsets(%dma_start3A_291 : memref<128xi32, #tpu.memory_space<vmem>>) semaphore(%arg9 : memref<!tpu.dma_semaphore, #tpu.memory_space<semaphore_mem>>)
      } else {
      }
      %add3A_232 = arith.constant 2 : i32
      %add3A_233 = arith.addi %mul3A_59, %add3A_232 : i32
      %add3A_234 = arith.addi %mul3A_2, %add3A_233 : i32
      %mul3A_235 = arith.constant 128 : i32
      %mul3A_236 = arith.muli %add3A_234, %mul3A_235 : i32
      %dma_wait3A_237 = arith.constant 2 : i32
      %dma_wait3A_238 = arith.constant 0 : i32
      %dma_wait3A_239 = arith.constant 0 : i32
      %dma_wait3A_240 = tpu.memref_slice %arg7[%dma_wait3A_237, %dma_wait3A_238, %dma_wait3A_239] : memref<4x128x128xf32, #tpu.memory_space<vmem>> -> memref<1x128x128xf32, #tpu.memory_space<vmem>>
      %dma_wait3A_241 = tpu.memref_squeeze %dma_wait3A_240 : memref<1x128x128xf32, #tpu.memory_space<vmem>> -> memref<128x128xf32, #tpu.memory_space<vmem>>
      %dma_wait3A_242 = arith.constant 0 : i32
      %dma_wait3A_243 = tpu.memref_slice %arg4[%mul3A_236, %dma_wait3A_242] : memref<1048576x128xf32, #tpu.memory_space<hbm>> -> memref<128x128xf32, #tpu.memory_space<hbm>>
      %dma_wait3A_244 = arith.constant 0 : i32
      %dma_wait3A_245 = tpu.memref_slice %arg4[%mul3A_236, %dma_wait3A_244] : memref<1048576x128xf32, #tpu.memory_space<hbm>> -> memref<128x128xf32, #tpu.memory_space<hbm>>
      %dma_wait3A_246 = arith.constant 0 : i32
      %dma_wait3A_247 = arith.constant 0 : i32
      %dma_wait3A_248 = tpu.memref_slice %arg7[%dma_wait3A_237, %dma_wait3A_246, %dma_wait3A_247] : memref<4x128x128xf32, #tpu.memory_space<vmem>> -> memref<1x128x128xf32, #tpu.memory_space<vmem>>
      %dma_wait3A_249 = tpu.memref_squeeze %dma_wait3A_248 : memref<1x128x128xf32, #tpu.memory_space<vmem>> -> memref<128x128xf32, #tpu.memory_space<vmem>>
      tpu.wait_dma2 semaphore(%arg14 : memref<!tpu.dma_semaphore, #tpu.memory_space<semaphore_mem>>) src(%dma_wait3A_249 : memref<128x128xf32, #tpu.memory_space<vmem>>) dst(%dma_wait3A_245 : memref<128x128xf32, #tpu.memory_space<hbm>>)
      %add3A_250 = arith.constant 4 : i32
      %add3A_251 = arith.addi %add3A_233, %add3A_250 : i32
      %lt3A_252 = arith.constant 256 : i32
      %lt3A_253 = arith.cmpi slt, %add3A_251, %lt3A_252 : i32
      %convert_element_type3A_254 = arith.extui %lt3A_253 : i1 to i32
      %cond3A_255 = arith.constant 0 : i32
      %cond3A_256 = arith.cmpi ne, %convert_element_type3A_254, %cond3A_255 : i32
      scf.if %cond3A_256 {
        %add3A_282 = arith.constant 4 : i32
        %add3A_283 = arith.addi %add3A_233, %add3A_282 : i32
        %dma_start3A_284 = arith.constant 2 : i32
        %dma_start3A_285 = arith.constant 0 : i32
        %dma_start3A_286 = arith.constant 0 : i32
        %dma_start3A_287 = tpu.memref_slice %arg7[%dma_start3A_284, %dma_start3A_285, %dma_start3A_286] : memref<4x128x128xf32, #tpu.memory_space<vmem>> -> memref<1x128x128xf32, #tpu.memory_space<vmem>>
        %dma_start3A_288 = tpu.memref_squeeze %dma_start3A_287 : memref<1x128x128xf32, #tpu.memory_space<vmem>> -> memref<128x128xf32, #tpu.memory_space<vmem>>
        %dma_start3A_289 = arith.constant 0 : i32
        %dma_start3A_290 = tpu.memref_slice %arg6[%add3A_283, %dma_start3A_289] : memref<256x128xi32, #tpu.memory_space<vmem>> -> memref<1x128xi32, #tpu.memory_space<vmem>>
        %dma_start3A_291 = tpu.memref_squeeze %dma_start3A_290 : memref<1x128xi32, #tpu.memory_space<vmem>> -> memref<128xi32, #tpu.memory_space<vmem>>
        %dma_start3A_292 = arith.constant 0 : i32
        %dma_start3A_293 = arith.constant 0 : i32
        %dma_start3A_294 = tpu.memref_slice %arg5[%dma_start3A_292, %dma_start3A_293] : memref<95x128xf32, #tpu.memory_space<vmem_shared>> -> memref<95x128xf32, #tpu.memory_space<vmem_shared>>
        tpu.enqueue_indirect_dma source(%dma_start3A_294 : memref<95x128xf32, #tpu.memory_space<vmem_shared>>) target(%dma_start3A_288 : memref<128x128xf32, #tpu.memory_space<vmem>>) offsets(%dma_start3A_291 : memref<128xi32, #tpu.memory_space<vmem>>) semaphore(%arg10 : memref<!tpu.dma_semaphore, #tpu.memory_space<semaphore_mem>>)
      } else {
      }
      %add3A_257 = arith.constant 3 : i32
      %add3A_258 = arith.addi %mul3A_59, %add3A_257 : i32
      %add3A_259 = arith.addi %mul3A_2, %add3A_258 : i32
      %mul3A_260 = arith.constant 128 : i32
      %mul3A_261 = arith.muli %add3A_259, %mul3A_260 : i32
      %dma_wait3A_262 = arith.constant 3 : i32
      %dma_wait3A_263 = arith.constant 0 : i32
      %dma_wait3A_264 = arith.constant 0 : i32
      %dma_wait3A_265 = tpu.memref_slice %arg7[%dma_wait3A_262, %dma_wait3A_263, %dma_wait3A_264] : memref<4x128x128xf32, #tpu.memory_space<vmem>> -> memref<1x128x128xf32, #tpu.memory_space<vmem>>
      %dma_wait3A_266 = tpu.memref_squeeze %dma_wait3A_265 : memref<1x128x128xf32, #tpu.memory_space<vmem>> -> memref<128x128xf32, #tpu.memory_space<vmem>>
      %dma_wait3A_267 = arith.constant 0 : i32
      %dma_wait3A_268 = tpu.memref_slice %arg4[%mul3A_261, %dma_wait3A_267] : memref<1048576x128xf32, #tpu.memory_space<hbm>> -> memref<128x128xf32, #tpu.memory_space<hbm>>
      %dma_wait3A_269 = arith.constant 0 : i32
      %dma_wait3A_270 = tpu.memref_slice %arg4[%mul3A_261, %dma_wait3A_269] : memref<1048576x128xf32, #tpu.memory_space<hbm>> -> memref<128x128xf32, #tpu.memory_space<hbm>>
      %dma_wait3A_271 = arith.constant 0 : i32
      %dma_wait3A_272 = arith.constant 0 : i32
      %dma_wait3A_273 = tpu.memref_slice %arg7[%dma_wait3A_262, %dma_wait3A_271, %dma_wait3A_272] : memref<4x128x128xf32, #tpu.memory_space<vmem>> -> memref<1x128x128xf32, #tpu.memory_space<vmem>>
      %dma_wait3A_274 = tpu.memref_squeeze %dma_wait3A_273 : memref<1x128x128xf32, #tpu.memory_space<vmem>> -> memref<128x128xf32, #tpu.memory_space<vmem>>
      tpu.wait_dma2 semaphore(%arg15 : memref<!tpu.dma_semaphore, #tpu.memory_space<semaphore_mem>>) src(%dma_wait3A_274 : memref<128x128xf32, #tpu.memory_space<vmem>>) dst(%dma_wait3A_270 : memref<128x128xf32, #tpu.memory_space<hbm>>)
      %add3A_275 = arith.constant 4 : i32
      %add3A_276 = arith.addi %add3A_258, %add3A_275 : i32
      %lt3A_277 = arith.constant 256 : i32
      %lt3A_278 = arith.cmpi slt, %add3A_276, %lt3A_277 : i32
      %convert_element_type3A_279 = arith.extui %lt3A_278 : i1 to i32
      %cond3A_280 = arith.constant 0 : i32
      %cond3A_281 = arith.cmpi ne, %convert_element_type3A_279, %cond3A_280 : i32
      scf.if %cond3A_281 {
        %add3A_282 = arith.constant 4 : i32
        %add3A_283 = arith.addi %add3A_258, %add3A_282 : i32
        %dma_start3A_284 = arith.constant 3 : i32
        %dma_start3A_285 = arith.constant 0 : i32
        %dma_start3A_286 = arith.constant 0 : i32
        %dma_start3A_287 = tpu.memref_slice %arg7[%dma_start3A_284, %dma_start3A_285, %dma_start3A_286] : memref<4x128x128xf32, #tpu.memory_space<vmem>> -> memref<1x128x128xf32, #tpu.memory_space<vmem>>
        %dma_start3A_288 = tpu.memref_squeeze %dma_start3A_287 : memref<1x128x128xf32, #tpu.memory_space<vmem>> -> memref<128x128xf32, #tpu.memory_space<vmem>>
        %dma_start3A_289 = arith.constant 0 : i32
        %dma_start3A_290 = tpu.memref_slice %arg6[%add3A_283, %dma_start3A_289] : memref<256x128xi32, #tpu.memory_space<vmem>> -> memref<1x128xi32, #tpu.memory_space<vmem>>
        %dma_start3A_291 = tpu.memref_squeeze %dma_start3A_290 : memref<1x128xi32, #tpu.memory_space<vmem>> -> memref<128xi32, #tpu.memory_space<vmem>>
        %dma_start3A_292 = arith.constant 0 : i32
        %dma_start3A_293 = arith.constant 0 : i32
        %dma_start3A_294 = tpu.memref_slice %arg5[%dma_start3A_292, %dma_start3A_293] : memref<95x128xf32, #tpu.memory_space<vmem_shared>> -> memref<95x128xf32, #tpu.memory_space<vmem_shared>>
        tpu.enqueue_indirect_dma source(%dma_start3A_294 : memref<95x128xf32, #tpu.memory_space<vmem_shared>>) target(%dma_start3A_288 : memref<128x128xf32, #tpu.memory_space<vmem>>) offsets(%dma_start3A_291 : memref<128xi32, #tpu.memory_space<vmem>>) semaphore(%arg11 : memref<!tpu.dma_semaphore, #tpu.memory_space<semaphore_mem>>)
      } else {
      }
    }
    %scan3A_56 = arith.constant 64 : i32
    return
  }
}

</mosaic_0001>

<sc_bundles>
// kernel: kernel.3.cloned.1.call-start
scs
__scs_entry_jumppad:
0x0: {  	(pc) =	sbr.rel $0x88, $3  }
0x1: {  	(tag) =	ssettag $0x0;
	lr =	simm.s32 $0x1  }
0x2: {  	[smem:$0x3F9F] =	sst lr;
	_ =	strace $0xD0000000  }
0x3: {  	_ = 	snop  }
0x4: {  	_ = 	snop  }
0x5: {  	_ = 	snop  }
0x6: {  	_ = 	snop  }
0x7: {  	_ = 	snop  }
__scs_overlays_trampoline_lowered:
0x8: {  	[smem:$0x3FAE] =	sst s0  }
0x9: {  	[smem:$0x3FAF] =	sst s1  }
0xa: {  	[smem:$0x3FB0] =	sst s2  }
0xb: {  	[smem:$0x3FB1] =	sst s3  }
0xc: {  	[smem:$0x3FB2] =	sst s4  }
0xd: {  	[smem:$0x3FB3] =	sst s5  }
0xe: {  	[smem:$0x3FB4] =	sst s6  }
0xf: {  	[smem:$0x3FB5] =	sst s7  }
0x10: {  	[smem:$0x3FB6] =	sst s8  }
0x11: {  	[smem:$0x3FB7] =	sst s9;
	s0 =	simm.s32 @!p0 $0x0  }
0x12: {  	s1 =	sld [smem:$0x3F9D];
	s0 =	simm.s32 @p0 $0x1  }
0x13: {  	[smem:$0x3FB8] =	sst s0;
	s0 =	simm.s32 @!p1 $0x0  }
0x14: {  	s2 =	sld [smem:$0x3F9C];
	s0 =	simm.s32 @p1 $0x1  }
0x15: {  	[smem:$0x3FB9] =	sst s0;
	s0 =	simm.s32 @!p2 $0x0  }
0x16: {  	s3 =	sld [smem:$0x3FDB];
	s0 =	simm.s32 @p2 $0x1  }
0x17: {  	s4 =	simm.s32 $0x1BF5;
	[smem:$0x3FBB] =	sst s0  }
0x18: {  	s0 =	sld [smem:$0x3F9E];
	_ =	swait.ge [sflag:s4], $0x0  }
0x19: {  	s7 =	sld [smem:$0x3F9F]  }
0x1a: {  	s8 =	sadd.s32 $0xFFFFE003, lr  }
0x1b: {  	s9 =	sadd.s32 $0xFFFFFEF7, lr;
	s5 =	simm.s32 $0xFFFFFFFF;
	p2 =	slt.u32 s8, $0xFFFFF086  }
0x1c: {  	p1 =	slt.u32 s9, $0xF7A;
	s5 =	simm.s32 @!p2 $0x0  }
0x1d: {  	s5 =	simm.s32 @p1 $0x1;
	p0 =	seq.s32 s7, s2  }
0x1e: {  	s7 =	smul.u32 @!p0 $0xF7A, s2;
	p2 =	seq.s32 @!p0 s5, $0x0  }
0x1f: {  	s9 =	smul.u32 $0xF7A, s1;
	s8 =	simm.s32 @!p0 $0x1BF5;
	p2 =	por !p2, p0  }
0x20: {  	[sflag:s8] =	ssyncset.s32 @!p0 $0xFFFFF086;
	s6 =	sadd.s32 @!p0 s3, s7;
	s7 =	simm.s32 @!p0 $0x108  }
0x21: {  	s3 =	sadd.s32 s3, s9;
	s6 =	sadd.s32 @!p0 $0x88, s6;
	s7 =	simm.s32 @p2 $0x1082  }
0x22: {  	[simem:s7], [sflag:s8] =	dma.local @!p0 [hbm:s6], $0xF7A  }
0x23: {  	s9 =	sor.u32 $0xD0000000, s2;
	s6 =	simm.s32 $0x108;
	_ =	swait.ge @!p0 [sflag:s8], $0x0  }
0x24: {  	s3 =	sadd.s32 $0x88, s3;
	s6 =	simm.s32 @!p1 $0x1082;
	[sflag:s4] =	ssyncset.s32 $0xFFFFF086  }
0x25: {  	[simem:s6], [sflag:s4] =	dma.local [hbm:s3], $0xF7A  }
0x26: {  	[smem:$0x3F9F] =	sst s1;
	(tag) =	ssettag s2;
	_ =	strace s9  }
0x27: {  	s1 =	sld [smem:$0x3FAF]  }
0x28: {  	s2 =	sld [smem:$0x3FB0]  }
0x29: {  	s4 =	sld [smem:$0x3FB2]  }
0x2a: {  	p0 =	seq.s32 s5, $0x0;
	s5 =	sld [smem:$0x3FB3]  }
0x2b: {  	s6 =	sld [smem:$0x3FB4]  }
0x2c: {  	s7 =	sld [smem:$0x3FB5]  }
0x2d: {  	s3 =	simm.s32 $0x108;
	s8 =	sld [smem:$0x3FB6]  }
0x2e: {  	s3 =	simm.s32 @!p0 $0x1082;
	s9 =	sld [smem:$0x3FB7]  }
0x2f: {  	lr =	sadd.s32 s0, s3;
	s0 =	sld [smem:$0x3FAE]  }
0x30: {  	s3 =	sld [smem:$0x3FB1]  }
0x31: {  	[smem:$0x3FBA] =	sst s10  }
0x32: {  	s10 =	sld [smem:$0x3FB8];
	_ =	sdelay $0x3  }
0x33: {  	p0 =	seq.s32 s10, $0x1;
	s10 =	sld [smem:$0x3FBA];
	_ =	sdelay $0x3  }
0x34: {  	[smem:$0x3FBA] =	sst s10  }
0x35: {  	s10 =	sld [smem:$0x3FB9];
	_ =	sdelay $0x3  }
0x36: {  	p1 =	seq.s32 s10, $0x1;
	s10 =	sld [smem:$0x3FBA];
	_ =	sdelay $0x3  }
0x37: {  	[smem:$0x3FBA] =	sst s10  }
0x38: {  	s10 =	sld [smem:$0x3FBB]  }
0x39: {  	_ = 	snop;
	(pc) =	sbr.ind lr, $3  }
0x3a: {  	_ = 	snop  }
0x3b: {  	_ = 	snop  }
0x3c: {  	p2 =	seq.s32 s10, $0x1;
	s10 =	sld [smem:$0x3FBA]  }
0x3d: {  	_ =	shalt  }
0x3e: {  	_ =	shalt  }
0x3f: {  	_ =	shalt  }
0x40: {  	_ =	shalt  }
0x41: {  	_ =	shalt  }
0x42: {  	_ =	shalt  }
0x43: {  	_ =	shalt  }
0x44: {  	_ =	shalt  }
0x45: {  	_ =	shalt  }
0x46: {  	_ =	shalt  }
0x47: {  	_ =	shalt  }
0x48: {  	_ =	shalt  }
0x49: {  	_ =	shalt  }
0x4a: {  	_ =	shalt  }
0x4b: {  	_ =	shalt  }
0x4c: {  	_ =	shalt  }
0x4d: {  	_ =	shalt  }
0x4e: {  	_ =	shalt  }
0x4f: {  	_ =	shalt  }
0x50: {  	_ =	shalt  }
0x51: {  	_ =	shalt  }
0x52: {  	_ =	shalt  }
0x53: {  	_ =	shalt  }
0x54: {  	_ =	shalt  }
0x55: {  	_ =	shalt  }
0x56: {  	_ =	shalt  }
0x57: {  	_ =	shalt  }
0x58: {  	_ =	shalt  }
0x59: {  	_ =	shalt  }
0x5a: {  	_ =	shalt  }
0x5b: {  	_ =	shalt  }
0x5c: {  	_ =	shalt  }
0x5d: {  	_ =	shalt  }
0x5e: {  	_ =	shalt  }
0x5f: {  	_ =	shalt  }
0x60: {  	_ =	shalt  }
0x61: {  	_ =	shalt  }
0x62: {  	_ =	shalt  }
0x63: {  	_ =	shalt  }
0x64: {  	_ =	shalt  }
0x65: {  	_ =	shalt  }
0x66: {  	_ =	shalt  }
0x67: {  	_ =	shalt  }
0x68: {  	_ =	shalt  }
0x69: {  	_ =	shalt  }
0x6a: {  	_ =	shalt  }
0x6b: {  	_ =	shalt  }
0x6c: {  	_ =	shalt  }
0x6d: {  	_ =	shalt  }
0x6e: {  	_ =	shalt  }
0x6f: {  	_ =	shalt  }
0x70: {  	_ =	shalt  }
0x71: {  	_ =	shalt  }
0x72: {  	_ =	shalt  }
0x73: {  	_ =	shalt  }
0x74: {  	_ =	shalt  }
0x75: {  	_ =	shalt  }
0x76: {  	_ =	shalt  }
0x77: {  	_ =	shalt  }
0x78: {  	_ =	shalt  }
0x79: {  	_ =	shalt  }
0x7a: {  	_ =	shalt  }
0x7b: {  	_ =	shalt  }
0x7c: {  	_ =	shalt  }
0x7d: {  	_ =	shalt  }
0x7e: {  	_ =	shalt  }
0x7f: {  	_ =	shalt  }
0x80: {  	_ =	shalt  }
0x81: {  	_ =	shalt  }
0x82: {  	_ =	shalt  }
0x83: {  	_ =	shalt  }
0x84: {  	_ =	shalt  }
0x85: {  	_ =	shalt  }
0x86: {  	_ =	shalt  }
0x87: {  	_ =	shalt  }
.Lfunc_end0:
.L_simem_size_0:
called_computation_lowered:
.L_overlay_start_0:
0x88: {  	s2 =	sld [smem:$0x3FD9]  }
0x89: {  	s3 =	sld [smem:$0x3FFE];
	_ =	sdelay $0x1  }
0x8a: {  	s1 =	srdreg.scid  }
0x8b: {  	s0 =	sand.u32 $0x1, s1  }
0x8c: {  	s18 =	sshll.u32 s0, $0xA;
	s2 =	sadd.s32 s3, s2  }
0x8d: {  	s2 =	sadd.s32 s2, s18  }
0x8e: {  	[smem:$0x3FC6] =	sst s2  }
0x8f: {  	_ = 	snop  }
0x90: {  	s2 =	sld [smem:$0x3FC9]  }
0x91: {  	s19 =	sld [smem:$0x3FC8]  }
0x92: {  	s4 =	sld [smem:$0x3FD0];
	(tm) =	ssettm $0x1  }
0x93: {  	s5 =	sld [smem:$0x3FFB];
	_ =	sdelay $0x3  }
0x94: {  	_ =	strace s5  }
0x95: {  	s5 =	sld [smem:$0x3FFC];
	_ =	sdelay $0x3  }
0x96: {  	_ =	strace s5  }
0x97: {  	s5 =	sld [smem:$0x3FFD];
	_ =	sdelay $0x3  }
0x98: {  	_ =	strace s5  }
0x99: {  	_ =	strace $0x8FFFFFFF  }
0x9a: {  	s20 =	sld [smem:$0x3FDB];
	_ =	sdelay $0x1  }
0x9b: {  	s6 =	simm.s32 $_scs_section_size  }
0x9c: {  	s7 =	simm.s32 $_size__tile_overlayer_lowered;
	s8 =	simm.s32 $_tile_overlayer_lowered  }
0x9d: {  	s23 =	simm.s32 $0x1BFF;
	s22 =	sshll.u32 s8, $0x1;
	s5 =	sadd.s32 s6, s20  }
0x9e: {  	s9 =	simm.s32 $0x0;
	s21 =	sshll.u32 s7, $0x1;
	s7 =	sadd.s32 s22, s5  }
0x9f: {  	[timem:s9], [sflag:s23] =	dma.local [hbm:s7], s21  }
0xa0: {  	_ =	swait.ge [sflag:s23], s21  }
0xa1: {  	s6 =	ssub.s32 $0x0, s21;
	[sflag:s23] =	ssyncset.done $0x0  }
0xa2: {  	[sflag:s23] =	ssyncadd.s32 s6;
	_ =	sdelay $0x1  }
0xa3: {  	s24 =	simm.s32 $0x1B8B  }
0xa4: {  	_ =	swait.ge [sflag:s24], $0x1  }
0xa5: {  	[sflag:s24] =	ssyncset.done $0x0  }
0xa6: {  	s25 =	simm.s32 $0x1B8E;
	[sflag:s24] =	ssyncadd.s32 $0xFFFFFFFF  }
0xa7: {  	s26 =	simm.s32 $execute0_lowered;
	[smem:$0x3FD2] =	sst s25  }
0xa8: {  	s6 =	sshll.u32 s26, $0x1;
	_ =	strace $0x80000046;
	[dreg:$0x1] =	wrdreg $0xFFFFFFFF  }
0xa9: {  	s28 =	simm.s32 $_size_execute0_lowered;
	s5 =	sadd.s32 s5, s6;
	[dreg:$0x0] =	wrdreg $0x0  }
0xaa: {  	s6 =	sshll.u32 s28, $0x1;
	[dreg:$0x2] =	wrdreg s5  }
0xab: {  	[dreg:$0x3] =	wrdreg s6  }
0xac: {  	[dreg:$0x4] =	wrdreg $0xC0  }
0xad: {  	_ =	task [dreg:s9], $0x5FFFF  }
0xae: {  	[dreg:$0x1] =	wrdreg $0xFFFFFFFF  }
0xaf: {  	[dreg:$0x0] =	wrdreg $0x60  }
0xb0: {  	[dreg:$0x2] =	wrdreg s2  }
0xb1: {  	[dreg:$0x3] =	wrdreg s19  }
0xb2: {  	[dreg:$0x4] =	wrdreg s4  }
0xb3: {  	[dreg:$0x5] =	wrdreg $0x0  }
0xb4: {  	[dreg:$0x6] =	wrdreg $0x9  }
0xb5: {  	_ =	task.clear_ibuf [dreg:s9], $0x7FFFF;
	_ =	strace $0x90000046  }
0xb6: {  	s29 =	simm.s32 $0x9;
	_ =	strace $0x80000048  }
0xb7: {  	_ =	swait.ge [sflag:s29], $0x1  }
0xb8: {  	[sflag:s29] =	ssyncadd.s32 $0xFFFFFFFF  }
0xb9: {  	_ =	strace $0x90000048  }
0xba: {  	_ =	sfence  }
0xbb: {  	s30 =	sld [smem:$0x0];
	_ =	sdelay $0x2  }
0xbc: {  	s31 =	sshll.u32 s1, $0xD;
	s1 =	sshrl.u32 s1, $0x2  }
0xbd: {  	s3 =	sand.u32 $0x4000, s31;
	s1 =	sadd.s32 s1, s30  }
0xbe: {  	s0 =	sor.u32 s3, s0;
	s1 =	sshll.u32 s1, $0x11  }
0xbf: {  	s0 =	sor.u32 s1, s0  }
0xc0: {  	s0 =	sadd.s32 $0x8F2B, s0  }
0xc1: {  	[sflag:s0] =	ssyncadd.remote.s32 $0x1  }
0xc2: {  	_ =	sfence.sel $0xFFFF  }
0xc3: {  	[dreg:$0x0] =	wrdreg $0xFFFFFFFF;
	(pc) =	sbr.abs _section_cstart, $3  }
0xc4: {  	[dreg:$0x1] =	wrdreg $0xFFFFFFFF  }
0xc5: {  	_ =	task.clear_ibuf [dreg:s9], $0x2FFFF;
	_ =	strace $0x9FFFFFFF  }
0xc6: {  	(tm) =	ssettm $0x7FFFFFFF  }
0xc7: {  	_ =	shalt  }
tec
execute0_lowered:
.L_overlay_start_1:
0x0: {  	(tag) =	ssettag $0x1  }
0x1: {  	s4 =	rddreg [dreg:$0x0]  }
0x2: {  	s1 =	rddreg [dreg:$0x1]  }
0x3: {  	s6 =	rddreg [dreg:$0x2]  }
0x4: {  	s2 =	rddreg [dreg:$0x3]  }
0x5: {  	s0 =	rddreg [dreg:$0x4];
	s3 =	simm.s32 $0x0;
	s5 =	srdreg.scid  }
0x6: {  	s8 =	stileid.u32;
	s12 =	simm.s32 $0x378;
	s13 =	simm.s32 $0xC2F8  }
0x7: {  	s14 =	simm.s32 $0x3F8;
	s15 =	simm.s32 $0x102F8;
	s16 =	simm.s32 $0x478  }
0x8: {  	s17 =	simm.s32 $0x142F8;
	s18 =	simm.s32 $0x1;
	s19 =	simm.s32 $0x2  }
0x9: {  	s20 =	simm.s32 $0x3;
	s21 =	simm.s32 $0x4;
	s22 =	simm.s32 $0x5  }
0xa: {  	s23 =	simm.s32 $0x6;
	s24 =	simm.s32 $0x7;
	s25 =	simm.s32 $0x8  }
0xb: {  	s26 =	simm.s32 $0x0;
	[smem:$0x7FF] =	sst s3;
	s7 =	sand.u32 $0x1, s5  }
0xc: {  	s10 =	sshll.u32 s8, $0xD;
	s31 =	sshll.u32 s8, $0x14;
	p0 =	sne.s32 s8, $0x0  }
0xd: {  	s8 =	simm.s32 $0x2F8;
	_ =	strace $0x80000047;
	s5 =	ssub.s32 $0x2, s7  }
.Ltmp0:
0xe: {  	s11 =	sshll.u32 s7, $0xC;
	s6 =	sadd.s32 s31, s6;
	(pc) =	sbr.rel .LBB2_1-.Ltmp0, $4  }
0xf: {  	s7 =	sshll.u32 s7, $0x13;
	s9 =	sshrl.u32 s5, $0x1;
	s10 =	sor.u32 s11, s10  }
0x10: {  	s6 =	sadd.s32 s7, s6;
	s11 =	simm.s32 $0x82F8;
	s5 =	ssub.s32 s5, s9  }
0x11: {  	s9 =	sadd.s32 $0x80, s2;
	s4 =	sadd.s32 s4, s10;
	s10 =	simm.s32 $0x80  }
0x12: {  	s5 =	smax.u32 s5, $0x1;
	s7 =	sshrl.u32 @!p0 s9, $0x3;
	s9 =	simm.s32 $0x9  }
.LBB2_4:
0x13: {  	_ =	swait.ge [sflag:s23], $0x4000  }
0x14: {  	[sflag:s23] =	ssyncset.done $0x0  }
0x15: {  	s26 =	sadd.s32 $0x1, s26;
	[sflag:s23] =	ssyncadd.s32 $0xFFFFC000  }
0x16: {  	p1 =	sne.s32 s26, s5;
	_ =	swait.ge [sflag:s24], $0x4000  }
.Ltmp1:
0x17: {  	[sflag:s24] =	ssyncset.done $0x0;
	(pc) =	sbr.rel @!p1 .LBB2_5-.Ltmp1, $4  }
0x18: {  	[sflag:s24] =	ssyncadd.s32 $0xFFFFC000  }
0x19: {  	_ =	swait.ge [sflag:s25], $0x4000  }
0x1a: {  	[sflag:s25] =	ssyncset.done $0x0  }
0x1b: {  	[sflag:s25] =	ssyncadd.s32 $0xFFFFC000  }
.LBB2_1:
0x1c: {  	s28 =	simm.s32 @!p0 $0x1C09  }
0x1d: {  	[spmem:s7], [sflag:s28] =	dma.local @!p0 [hbm:s1], $0x5E0  }
0x1e: {  	s28 =	simm.s32 @!p0 $0x9  }
0x1f: {  	_ =	swait.ge @!p0 [sflag:s28], $0x5E0  }
0x20: {  	[sflag:s28] =	ssyncset.done @!p0 $0x0  }
0x21: {  	[sflag:s28] =	ssyncadd.s32 @!p0 $0xFFFFFA20  }
0x22: {  	[tilespmem:s8], [sflag:$0x9] =	stream.linear.gather [hbm4b:s4+s3], $0x8000, $0x38;
	[tilespmem:$0x182F8] =	vst v63  }
0x23: {  	_ =	swait.ge [sflag:s9], $0x8000  }
0x24: {  	[sflag:s9] =	ssyncset.done $0x0  }
0x25: {  	[sflag:s9] =	ssyncadd.s32 $0xFFFF8000  }
0x26: {  	[bflag:$0x0] =	sbarrier.arrive $0xFFFF  }
0x27: {  	[tilespmem:s11], [sflag:$0x1] =	stream.indirect.gather [spmem:s2], $0x80, s8, s10, $0xb8;
	[tilespmem:$0x182F8] =	vst v63  }
0x28: {  	_ = 	snop  }
0x29: {  	[tilespmem:s13], [sflag:$0x2] =	stream.indirect.gather [spmem:s2], $0x80, s12, s10, $0xb8;
	[tilespmem:$0x182F8] =	vst v63  }
0x2a: {  	_ = 	snop  }
0x2b: {  	[tilespmem:s15], [sflag:$0x3] =	stream.indirect.gather [spmem:s2], $0x80, s14, s10, $0xb8;
	[tilespmem:$0x182F8] =	vst v63  }
0x2c: {  	s29 =	simm.s32 $0x0;
	s28 =	smov.u32 s6  }
0x2d: {  	[tilespmem:s17], [sflag:$0x4] =	stream.indirect.gather [spmem:s2], $0x80, s16, s10, $0xb8;
	[tilespmem:$0x182F8] =	vst v63  }
.LBB2_2:
0x2e: {  	_ =	swait.ge [sflag:s18], $0x4000  }
0x2f: {  	[sflag:s18] =	ssyncset.done $0x0  }
0x30: {  	[sflag:s18] =	ssyncadd.s32 $0xFFFFC000  }
0x31: {  	[hbm4b:s28+s3] =	stream.linear.scatter [tilespmem:s11], [sflag:$0x5], $0x4000, $0x38;
	[tilespmem:$0x182F8] =	vst v63  }
0x32: {  	_ =	swait.ge [sflag:s19], $0x4000  }
0x33: {  	[sflag:s19] =	ssyncset.done $0x0  }
0x34: {  	s30 =	sadd.s32 $0x800, s28;
	[sflag:s19] =	ssyncadd.s32 $0xFFFFC000  }
0x35: {  	[hbm4b:s30+s3] =	stream.linear.scatter [tilespmem:s13], [sflag:$0x6], $0x4000, $0x38;
	[tilespmem:$0x182F8] =	vst v63  }
0x36: {  	_ =	swait.ge [sflag:s20], $0x4000  }
0x37: {  	[sflag:s20] =	ssyncset.done $0x0  }
0x38: {  	s31 =	sadd.s32 $0x1000, s28;
	[sflag:s20] =	ssyncadd.s32 $0xFFFFC000  }
0x39: {  	[hbm4b:s31+s3] =	stream.linear.scatter [tilespmem:s15], [sflag:$0x7], $0x4000, $0x38;
	[tilespmem:$0x182F8] =	vst v63  }
0x3a: {  	_ =	swait.ge [sflag:s21], $0x4000  }
0x3b: {  	p1 =	seq.s32 s29, $0x1F800;
	[sflag:s21] =	ssyncset.done $0x0  }
.Ltmp2:
0x3c: {  	s31 =	sadd.s32 $0x1800, s28;
	[sflag:s21] =	ssyncadd.s32 $0xFFFFC000;
	(pc) =	sbr.rel @p1 .LBB2_4-.Ltmp2, $4  }
0x3d: {  	[hbm4b:s31+s3] =	stream.linear.scatter [tilespmem:s17], [sflag:$0x8], $0x4000, $0x38;
	[tilespmem:$0x182F8] =	vst v63  }
0x3e: {  	_ =	swait.ge [sflag:s22], $0x4000  }
0x3f: {  	[sflag:s22] =	ssyncset.done $0x0  }
0x40: {  	[sflag:s22] =	ssyncadd.s32 $0xFFFFC000  }
0x41: {  	s30 =	sshra.s32 s29, $0x2  }
0x42: {  	s31 =	sadd.s32 $0x4F8, s30  }
0x43: {  	[tilespmem:s11], [sflag:$0x1] =	stream.indirect.gather [spmem:s2], $0x80, s31, s10, $0xb8;
	[tilespmem:$0x182F8] =	vst v63  }
0x44: {  	_ =	swait.ge [sflag:s23], $0x4000  }
0x45: {  	[sflag:s23] =	ssyncset.done $0x0  }
0x46: {  	s31 =	sadd.s32 $0x578, s30;
	[sflag:s23] =	ssyncadd.s32 $0xFFFFC000  }
0x47: {  	[tilespmem:s13], [sflag:$0x2] =	stream.indirect.gather [spmem:s2], $0x80, s31, s10, $0xb8;
	[tilespmem:$0x182F8] =	vst v63  }
0x48: {  	_ =	swait.ge [sflag:s24], $0x4000  }
0x49: {  	[sflag:s24] =	ssyncset.done $0x0  }
0x4a: {  	s31 =	sadd.s32 $0x5F8, s30;
	[sflag:s24] =	ssyncadd.s32 $0xFFFFC000  }
0x4b: {  	[tilespmem:s15], [sflag:$0x3] =	stream.indirect.gather [spmem:s2], $0x80, s31, s10, $0xb8;
	[tilespmem:$0x182F8] =	vst v63  }
.Ltmp3:
0x4c: {  	_ = 	snop;
	(pc) =	sbr.rel .LBB2_2-.Ltmp3, $4  }
0x4d: {  	_ =	swait.ge [sflag:s25], $0x4000  }
0x4e: {  	s29 =	sadd.s32 $0x800, s29;
	[sflag:s25] =	ssyncset.done $0x0  }
0x4f: {  	s28 =	sadd.s32 $0x2000, s28;
	s30 =	sadd.s32 $0x678, s30;
	[sflag:s25] =	ssyncadd.s32 $0xFFFFC000  }
0x50: {  	[tilespmem:s17], [sflag:$0x4] =	stream.indirect.gather [spmem:s2], $0x80, s30, s10, $0xb8;
	[tilespmem:$0x182F8] =	vst v63  }
.LBB2_5:
0x51: {  	_ =	sfence.sel $0x180000  }
0x52: {  	[bflag:$0x0] =	sbarrier.arrive $0xFFFF  }
0x53: {  	_ =	strace $0x90000047  }
0x54: {  	s0 =	sadd.s32 @!p0 $0x100000, s0;
	[bflag:$0x2] =	sbarrier.arrive $0xFFFF  }
0x55: {  	[sflag:s0] =	ssyncadd.tile.s32 @!p0 $0x1;
	_ =	shalt  }
.Lfunc_end2:
_tile_overlayer_lowered:
.L_overlay_start_2:
0x56: {  	(tag) =	ssettag $0x2  }
0x57: {  	s0 =	rddreg [dreg:$0x0];
	s2 =	stileid.u32  }
0x58: {  	s1 =	rddreg [dreg:$0x1];
	p0 =	sne.s32 s2, $0x0  }
0x59: {  	s3 =	rddreg [dreg:$0x2];
	[bflag:$0x3] =	sbarrier.arrive $0xFFFF;
	s2 =	simm.s32 @!p0 $0x1C09  }
0x5a: {  	[timem:s3], [sflag:s2] =	dma.local @!p0 [hbm:s0], s1  }
0x5b: {  	s0 =	simm.s32 @!p0 $0x9  }
0x5c: {  	_ =	swait.ge @!p0 [sflag:s0], s1  }
0x5d: {  	s1 =	ssub.s32 @!p0 $0x0, s1;
	[sflag:s0] =	ssyncset.done @!p0 $0x0  }
0x5e: {  	[sflag:s0] =	ssyncadd.s32 @!p0 s1  }
0x5f: {  	[bflag:$0x3] =	sbarrier.arrive $0xFFFF  }
0x60: {  	_ =	shalt  }

</sc_bundles>
